<compile_context>
chip_gen: v7x
topology: tpu7x:2x2x1
jax: 0.10.2.dev20260603
libtpu: 0.0.44.dev20260713+nightly
codegen_flags: <defaults>
</compile_context>

<pallas_src>
import functools

import jax
import jax.numpy as jnp
from jax import lax
from jax.experimental import pallas as pl
from jax.experimental.pallas import tpu as pltpu
from jax.experimental.pallas import tpu_sc as plsc

_B, _N, _F, _R = 8, 8192, 2048, 5
_LANES = 16
_NW = 32


def _score_body(x_ref, w_ref, o_ref):
    o_ref[...] = lax.dot_general(
        w_ref[...], x_ref[...], (((1,), (1,)), ((), ())),
        preferred_element_type=jnp.float32)


def _scores(feats_flat, w_row, blk):
    tot = feats_flat.shape[0]
    return pl.pallas_call(
        _score_body,
        grid=(tot // blk,),
        in_specs=[
            pl.BlockSpec((blk, _F), lambda i: (i, 0)),
            pl.BlockSpec((1, _F), lambda i: (0, 0)),
        ],
        out_specs=pl.BlockSpec((1, blk), lambda i: (0, i)),
        out_shape=jax.ShapeDtypeStruct((1, tot), jnp.float32),
    )(feats_flat, w_row)


def _select_body(scores_hbm, out_hbm, row_v, res_v):
    cid = lax.axis_index("c")
    sid = lax.axis_index("s")
    wid = sid * 2 + cid

    @pl.when(wid < _B)
    def _():
        pltpu.sync_copy(scores_hbm.at[wid], row_v)
        v0 = lax.sort(row_v[pl.ds(0, _LANES)])

        def body(i, carry):
            t_bot, t_top = carry
            s = lax.sort(row_v[pl.ds(i * _LANES, _LANES)])
            sd = lax.rev(s, (0,))
            t_top = lax.sort(jnp.maximum(t_top, sd))
            t_bot = lax.sort(jnp.minimum(t_bot, sd))
            return t_bot, t_top

        t_bot, t_top = lax.fori_loop(1, _N // _LANES, body, (v0, v0))
        res_v[pl.ds(0, _LANES)] = t_bot
        res_v[pl.ds(_LANES, _LANES)] = t_top
        pltpu.sync_copy(res_v, out_hbm.at[wid])


@functools.cache
def _select_kernel():
    return pl.kernel(
        _select_body,
        out_type=jax.ShapeDtypeStruct((_B, 2 * _LANES), jnp.float32),
        mesh=plsc.VectorSubcoreMesh(core_axis_name="c", subcore_axis_name="s"),
        scratch_types=[
            pltpu.VMEM((_N,), jnp.float32),
            pltpu.VMEM((2 * _LANES,), jnp.float32),
        ],
        compiler_params=pltpu.CompilerParams(needs_layout_passes=False),
    )


def _mlp_body(sel_ref, w1_ref, b1_ref, w2_ref, b2_ref, w3_ref, b3_ref,
              logits_ref, probs_ref):
    sel = sel_ref[...]
    x = jnp.concatenate([sel[:, 0:_R], sel[:, 32 - _R:32]], axis=1)

    def sigmoid(v):
        return 1.0 / (1.0 + jnp.exp(-v))

    h = sigmoid(jnp.dot(x, w1_ref[...], preferred_element_type=jnp.float32)
                + b1_ref[...])
    h = sigmoid(jnp.dot(h, w2_ref[...], preferred_element_type=jnp.float32)
                + b2_ref[...])
    logits = (jnp.dot(h, w3_ref[...], preferred_element_type=jnp.float32)
              + b3_ref[...])
    logits_ref[...] = logits
    probs_ref[...] = sigmoid(logits)


def _mlp(sel, W1, b1, W2, b2, W3, b3):
    return pl.pallas_call(
        _mlp_body,
        out_shape=(
            jax.ShapeDtypeStruct((_B, 1), jnp.float32),
            jax.ShapeDtypeStruct((_B, 1), jnp.float32),
        ),
    )(sel, W1, b1.reshape(1, -1), W2, b2.reshape(1, -1), W3,
      b3.reshape(1, -1))


def kernel(feats, w_conv, W1, b1, W2, b2, W3, b3):
    feats_flat = feats.reshape(_B * _N, _F)
    scores = _scores(feats_flat, w_conv.reshape(1, _F), blk=1024)
    sel = _select_kernel()(scores.reshape(_B, _N))
    logits, probs = _mlp(sel, W1, b1, W2, b2, W3, b3)
    return logits, probs

# --- scband reference (transcript-rebuilt; emitter-appended) ---
"""Pipeline reference for scband-model-26190710571339 (READ-ONLY COPY).

The authoritative reference and input builder live on the scoring server;
editing this copy changes nothing except your own understanding.
"""

import jax, jax.numpy as jnp
import numpy as np

B, N, F, R = 8, 8192, 2048, 5

def setup_inputs(seed: int = 0) -> dict:
    key = jax.random.key(seed)
    ks = jax.random.split(key, 8)
    feats = jax.random.normal(ks[0], (B, N, F), dtype=jnp.float32)
    # conv1x1: nn.Conv1d(2048, 1, kernel_size=1, bias=False) -> weight [1, 2048, 1] ~ vector [2048]
    w_conv = jax.random.normal(ks[1], (F,), dtype=jnp.float32) * (1.0 / np.sqrt(F))
    # mlp: Linear(2R,200) -> Sigmoid -> Dropout(eval: identity) -> Linear(200,100) -> Sigmoid -> Dropout -> Linear(100,1)
    W1 = jax.random.normal(ks[2], (2 * R, 200), dtype=jnp.float32) * (1.0 / np.sqrt(2 * R))
    b1 = jax.random.normal(ks[3], (200,), dtype=jnp.float32) * 0.01
    W2 = jax.random.normal(ks[4], (200, 100), dtype=jnp.float32) * (1.0 / np.sqrt(200))
    b2 = jax.random.normal(ks[5], (100,), dtype=jnp.float32) * 0.01
    W3 = jax.random.normal(ks[6], (100, 1), dtype=jnp.float32) * (1.0 / np.sqrt(100))
    b3 = jax.random.normal(ks[7], (1,), dtype=jnp.float32) * 0.01
    return {"feats": feats, "w_conv": w_conv, "W1": W1, "b1": b1, "W2": W2, "b2": b2, "W3": W3, "b3": b3}

def reference(feats, w_conv, W1, b1, W2, b2, W3, b3):
    # feats: [B, N, F]; transpose + 1x1 conv == per-tile dot product with w_conv
    scores = jnp.einsum('bnf,f->bn', feats, w_conv)  # [B, N]
    # vals, inds = feats.sort(dim=1)
    inds = jnp.argsort(scores, axis=1)  # ascending, [B, N]
    minmax_inds = jnp.concatenate([inds[:, :R], inds[:, -R:]], axis=1)  # [B, 2R]
    minmax_feats = jnp.take_along_axis(scores, minmax_inds, axis=1)  # [B, 2R]
    # MLP (dropout is identity in eval mode)
    h = jax.nn.sigmoid(minmax_feats @ W1 + b1)
    h = jax.nn.sigmoid(h @ W2 + b2)
    logits = h @ W3 + b3  # [B, 1]
    probs = jax.nn.sigmoid(logits)
    return logits, probs

if __name__ == "__main__":
    import jax
    _d = setup_inputs()
    print(jax.jit(kernel)(*tuple(_d.values())))

</pallas_src>

<mosaic_0001>
#map = affine_map<(d0, d1) -> (0, 0)>
module attributes {stable_mosaic.version = 14 : i64} {
  func.func @_select_body(%arg0: i32, %arg1: i32, %arg2: memref<8x8192xf32, #tpu.memory_space<hbm>>, %arg3: memref<8x32xf32, #tpu.memory_space<hbm>>, %arg4: memref<8192xf32, #tpu.memory_space<vmem>>, %arg5: memref<32xf32, #tpu.memory_space<vmem>>) attributes {dimension_semantics = [#tpu.dimension_semantics<core_parallel>, #tpu.dimension_semantics<subcore_parallel>], iteration_bounds = array<i64: 2, 16>, scalar_prefetch = 0 : i64, scratch_operands = 2 : i64, tpu.core_type = #tpu.core_type<sc_vector_subcore>, window_params = [{transform_indices = #map}, {transform_indices = #map}]} {
    %mul3A = arith.constant 2 : i32
    %mul3A_0 = arith.muli %arg1, %mul3A : i32
    %add3A = arith.addi %mul3A_0, %arg0 : i32
    %lt3A = arith.constant 8 : i32
    %lt3A_1 = arith.cmpi slt, %add3A, %lt3A : i32
    %convert_element_type3A = arith.extui %lt3A_1 : i1 to i32
    %cond3A = arith.constant 0 : i32
    %cond3A_2 = arith.cmpi ne, %convert_element_type3A, %cond3A : i32
    scf.if %cond3A_2 {
      "tpu.region"() ({
        %run_scoped3A = tpu.sem_alloc : memref<!tpu.dma_semaphore, #tpu.memory_space<semaphore_mem>>
        %dma_start3A = arith.constant 0 : i32
        %dma_start3A_15 = tpu.memref_slice %arg2[%add3A, %dma_start3A] : memref<8x8192xf32, #tpu.memory_space<hbm>> -> memref<1x8192xf32, #tpu.memory_space<hbm>>
        %dma_start3A_16 = tpu.memref_squeeze %dma_start3A_15 : memref<1x8192xf32, #tpu.memory_space<hbm>> -> memref<8192xf32, #tpu.memory_space<hbm>>
        %dma_start3A_17 = arith.constant 0 : i32
        %dma_start3A_18 = tpu.memref_slice %arg2[%add3A, %dma_start3A_17] : memref<8x8192xf32, #tpu.memory_space<hbm>> -> memref<1x8192xf32, #tpu.memory_space<hbm>>
        %dma_start3A_19 = tpu.memref_squeeze %dma_start3A_18 : memref<1x8192xf32, #tpu.memory_space<hbm>> -> memref<8192xf32, #tpu.memory_space<hbm>>
        tpu.enqueue_dma source(%dma_start3A_19 : memref<8192xf32, #tpu.memory_space<hbm>>) target(%arg4 : memref<8192xf32, #tpu.memory_space<vmem>>) target_semaphore(%run_scoped3A : memref<!tpu.dma_semaphore, #tpu.memory_space<semaphore_mem>>)
        %dma_wait3A = arith.constant 0 : i32
        %dma_wait3A_20 = tpu.memref_slice %arg2[%add3A, %dma_wait3A] : memref<8x8192xf32, #tpu.memory_space<hbm>> -> memref<1x8192xf32, #tpu.memory_space<hbm>>
        %dma_wait3A_21 = tpu.memref_squeeze %dma_wait3A_20 : memref<1x8192xf32, #tpu.memory_space<hbm>> -> memref<8192xf32, #tpu.memory_space<hbm>>
        %dma_wait3A_22 = arith.constant 0 : i32
        %dma_wait3A_23 = tpu.memref_slice %arg2[%add3A, %dma_wait3A_22] : memref<8x8192xf32, #tpu.memory_space<hbm>> -> memref<1x8192xf32, #tpu.memory_space<hbm>>
        %dma_wait3A_24 = tpu.memref_squeeze %dma_wait3A_23 : memref<1x8192xf32, #tpu.memory_space<hbm>> -> memref<8192xf32, #tpu.memory_space<hbm>>
        tpu.wait_dma2 semaphore(%run_scoped3A : memref<!tpu.dma_semaphore, #tpu.memory_space<semaphore_mem>>) src(%dma_wait3A_24 : memref<8192xf32, #tpu.memory_space<hbm>>) dst(%arg4 : memref<8192xf32, #tpu.memory_space<vmem>>)
        tpu.yield
      }) : () -> ()
      %get3A = arith.constant 0 : index
      %get3A_3 = tpu.vector_load %arg4[%get3A] {strides = array<i32>} : memref<8192xf32, #tpu.memory_space<vmem>>, vector<16xf32>,
      %sort3A = arith.constant dense<true> : vector<16xi1>
      %sort3A_4, %sort3A_5, %sort3A_6 = tpu.sort %get3A_3, %get3A_3 masked %sort3A : (vector<16xf32>, vector<16xf32>, vector<16xi1>) -> (vector<16xi1>, vector<16xf32>, vector<16xf32>)
      %scan3A = arith.constant 1 : i32
      %scan3A_7 = arith.constant 511 : i32
      %scan3A_8 = arith.addi %scan3A, %scan3A_7 : i32
      %scan3A_9 = arith.constant 1 : i32
      %scan3A_10:2 = scf.for %scan3A_15 = %scan3A to %scan3A_8 step %scan3A_9 iter_args(%scan3A_16 = %sort3A_5, %scan3A_17 = %sort3A_5) -> (vector<16xf32>, vector<16xf32>)  : i32 {
        %mul3A_18 = arith.constant 16 : i32
        %mul3A_19 = arith.muli %scan3A_15, %mul3A_18 : i32
        %get3A_20 = arith.index_cast %mul3A_19 : i32 to index
        %get3A_21 = tpu.vector_load %arg4[%get3A_20] {strides = array<i32>} : memref<8192xf32, #tpu.memory_space<vmem>>, vector<16xf32>,
        %sort3A_22 = arith.constant dense<true> : vector<16xi1>
        %sort3A_23, %sort3A_24, %sort3A_25 = tpu.sort %get3A_21, %get3A_21 masked %sort3A_22 : (vector<16xf32>, vector<16xf32>, vector<16xi1>) -> (vector<16xi1>, vector<16xf32>, vector<16xf32>)
        %rev3A = arith.constant 15 : i32
        %rev3A_26 = vector.broadcast %rev3A : i32 to vector<16xi32>
        %rev3A_27 = tpu.iota {dimensions = array<i32: 0>} : vector<16xi32>
        %rev3A_28 = arith.subi %rev3A_26, %rev3A_27 : vector<16xi32>
        %rev3A_29 = tpu.dynamic_gather %sort3A_24[%rev3A_28] in [0] : vector<16xf32>, vector<16xi32> -> vector<16xf32>
        %max3A = arith.maximumf %scan3A_17, %rev3A_29 : vector<16xf32>
        %sort3A_30 = arith.constant dense<true> : vector<16xi1>
        %sort3A_31, %sort3A_32, %sort3A_33 = tpu.sort %max3A, %max3A masked %sort3A_30 : (vector<16xf32>, vector<16xf32>, vector<16xi1>) -> (vector<16xi1>, vector<16xf32>, vector<16xf32>)
        %min3A = arith.minimumf %scan3A_16, %rev3A_29 : vector<16xf32>
        %sort3A_34 = arith.constant dense<true> : vector<16xi1>
        %sort3A_35, %sort3A_36, %sort3A_37 = tpu.sort %min3A, %min3A masked %sort3A_34 : (vector<16xf32>, vector<16xf32>, vector<16xi1>) -> (vector<16xi1>, vector<16xf32>, vector<16xf32>)
        scf.yield %sort3A_36, %sort3A_32 : vector<16xf32>, vector<16xf32>
      }
      %scan3A_11 = arith.constant 511 : i32
      %swap3A = arith.constant 0 : index
      %swap3A_12 = tpu.vector_load %arg5[%swap3A] {strides = array<i32>} : memref<32xf32, #tpu.memory_space<vmem>>, vector<16xf32>,
      tpu.vector_store %arg5[%swap3A], %scan3A_10#0 {strides = array<i32>} : memref<32xf32, #tpu.memory_space<vmem>>, vector<16xf32>,
      %swap3A_13 = arith.constant 16 : index
      %swap3A_14 = tpu.vector_load %arg5[%swap3A_13] {strides = array<i32>} : memref<32xf32, #tpu.memory_space<vmem>>, vector<16xf32>,
      tpu.vector_store %arg5[%swap3A_13], %scan3A_10#1 {strides = array<i32>} : memref<32xf32, #tpu.memory_space<vmem>>, vector<16xf32>,
      "tpu.region"() ({
        %run_scoped3A = tpu.sem_alloc : memref<!tpu.dma_semaphore, #tpu.memory_space<semaphore_mem>>
        %dma_start3A = arith.constant 0 : i32
        %dma_start3A_15 = tpu.memref_slice %arg3[%add3A, %dma_start3A] : memref<8x32xf32, #tpu.memory_space<hbm>> -> memref<1x32xf32, #tpu.memory_space<hbm>>
        %dma_start3A_16 = tpu.memref_squeeze %dma_start3A_15 : memref<1x32xf32, #tpu.memory_space<hbm>> -> memref<32xf32, #tpu.memory_space<hbm>>
        %dma_start3A_17 = arith.constant 0 : i32
        %dma_start3A_18 = tpu.memref_slice %arg3[%add3A, %dma_start3A_17] : memref<8x32xf32, #tpu.memory_space<hbm>> -> memref<1x32xf32, #tpu.memory_space<hbm>>
        %dma_start3A_19 = tpu.memref_squeeze %dma_start3A_18 : memref<1x32xf32, #tpu.memory_space<hbm>> -> memref<32xf32, #tpu.memory_space<hbm>>
        tpu.enqueue_dma source(%arg5 : memref<32xf32, #tpu.memory_space<vmem>>) target(%dma_start3A_19 : memref<32xf32, #tpu.memory_space<hbm>>) target_semaphore(%run_scoped3A : memref<!tpu.dma_semaphore, #tpu.memory_space<semaphore_mem>>)
        %dma_wait3A = arith.constant 0 : i32
        %dma_wait3A_20 = tpu.memref_slice %arg3[%add3A, %dma_wait3A] : memref<8x32xf32, #tpu.memory_space<hbm>> -> memref<1x32xf32, #tpu.memory_space<hbm>>
        %dma_wait3A_21 = tpu.memref_squeeze %dma_wait3A_20 : memref<1x32xf32, #tpu.memory_space<hbm>> -> memref<32xf32, #tpu.memory_space<hbm>>
        %dma_wait3A_22 = arith.constant 0 : i32
        %dma_wait3A_23 = tpu.memref_slice %arg3[%add3A, %dma_wait3A_22] : memref<8x32xf32, #tpu.memory_space<hbm>> -> memref<1x32xf32, #tpu.memory_space<hbm>>
        %dma_wait3A_24 = tpu.memref_squeeze %dma_wait3A_23 : memref<1x32xf32, #tpu.memory_space<hbm>> -> memref<32xf32, #tpu.memory_space<hbm>>
        tpu.wait_dma2 semaphore(%run_scoped3A : memref<!tpu.dma_semaphore, #tpu.memory_space<semaphore_mem>>) src(%arg5 : memref<32xf32, #tpu.memory_space<vmem>>) dst(%dma_wait3A_24 : memref<32xf32, #tpu.memory_space<hbm>>)
        tpu.yield
      }) : () -> ()
    } else {
    }
    return
  }
}

module attributes {stable_mosaic.version = 14 : i64} {
  func.func @_score_body(%arg0: i32, %arg1: memref<1024x2048xf32, #tpu.memory_space<vmem>>, %arg2: memref<1x2048xf32, #tpu.memory_space<vmem>>, %arg3: memref<1x1024xf32, #tpu.memory_space<vmem>>) attributes {dimension_semantics = [#tpu.dimension_semantics<arbitrary>], iteration_bounds = array<i64: 64>, scalar_prefetch = 0 : i64, scratch_operands = 0 : i64, tpu.core_type = #tpu.core_type<tc>, window_params = [{transform_indices = @transform_0, window_bounds = array<i64: 1024, 2048>}, {pipeline_mode = #tpu.pipeline_mode<synchronous>, transform_indices = @transform_1, window_bounds = array<i64: 1, 2048>}, {transform_indices = @transform_2, window_bounds = array<i64: 1, 1024>}]} {
    %get3A = arith.constant 0 : index
    %get3A_0 = arith.constant 0 : index
    %get3A_1 = vector.load %arg2[%get3A, %get3A_0] : memref<1x2048xf32, #tpu.memory_space<vmem>>, vector<1x2048xf32>
    %get3A_2 = arith.constant 0 : index
    %get3A_3 = arith.constant 0 : index
    %get3A_4 = vector.load %arg1[%get3A_2, %get3A_3] : memref<1024x2048xf32, #tpu.memory_space<vmem>>, vector<1024x2048xf32>
    %dot_general3A = arith.constant dense<0.000000e+00> : vector<1x1024xf32>
    %dot_general3A_5 = tpu.matmul %get3A_1, %get3A_4, %dot_general3A {dimension_numbers = #tpu.dot_dimension_numbers<[1], [1], [0], [0], [0, 0, 1, 0], [], []>, transpose_lhs_hint = false} : vector<1x2048xf32>, vector<1024x2048xf32>, vector<1x1024xf32> -> vector<1x1024xf32>
    %swap3A = arith.constant 0 : index
    %swap3A_6 = arith.constant 0 : index
    %swap3A_7 = vector.load %arg3[%swap3A, %swap3A_6] : memref<1x1024xf32, #tpu.memory_space<vmem>>, vector<1x1024xf32>
    tpu.vector_store %arg3[%swap3A, %swap3A_6], %dot_general3A_5 {strides = array<i32>} : memref<1x1024xf32, #tpu.memory_space<vmem>>, vector<1x1024xf32>,
    return
  }
  func.func @transform_0(%arg0: i32) -> (i32, i32) {
    %c0_i32 = arith.constant 0 : i32
    %c0_i32_0 = arith.constant 0 : i32
    return %arg0, %c0_i32 : i32, i32
  }
  func.func @transform_1(%arg0: i32) -> (i32, i32) {
    %c0_i32 = arith.constant 0 : i32
    %c0_i32_0 = arith.constant 0 : i32
    %c0_i32_1 = arith.constant 0 : i32
    return %c0_i32, %c0_i32_0 : i32, i32
  }
  func.func @transform_2(%arg0: i32) -> (i32, i32) {
    %c0_i32 = arith.constant 0 : i32
    %c0_i32_0 = arith.constant 0 : i32
    return %c0_i32, %arg0 : i32, i32
  }
}

module attributes {stable_mosaic.version = 14 : i64} {
  func.func @_mlp_body(%arg0: memref<8x32xf32, #tpu.memory_space<vmem>>, %arg1: memref<10x200xf32, #tpu.memory_space<vmem>>, %arg2: memref<1x200xf32, #tpu.memory_space<vmem>>, %arg3: memref<200x100xf32, #tpu.memory_space<vmem>>, %arg4: memref<1x100xf32, #tpu.memory_space<vmem>>, %arg5: memref<100x1xf32, #tpu.memory_space<vmem>>, %arg6: memref<1x1xf32, #tpu.memory_space<vmem>>, %arg7: memref<8x1xf32, #tpu.memory_space<vmem>>, %arg8: memref<8x1xf32, #tpu.memory_space<vmem>>) attributes {dimension_semantics = [], scalar_prefetch = 0 : i64, scratch_operands = 0 : i64, tpu.core_type = #tpu.core_type<tc>} {
    %get3A = arith.constant 0 : index
    %get3A_0 = arith.constant 0 : index
    %get3A_1 = vector.load %arg0[%get3A, %get3A_0] : memref<8x32xf32, #tpu.memory_space<vmem>>, vector<8x32xf32>
    %slice3A = vector.extract_strided_slice %get3A_1 {offsets = [0, 0], sizes = [8, 5], strides = [1, 1]} : vector<8x32xf32> to vector<8x5xf32>
    %slice3A_2 = vector.extract_strided_slice %get3A_1 {offsets = [0, 27], sizes = [8, 5], strides = [1, 1]} : vector<8x32xf32> to vector<8x5xf32>
    %concatenate3A = tpu.concatenate %slice3A, %slice3A_2 in 1 : vector<8x5xf32>, vector<8x5xf32> -> vector<8x10xf32>
    %get3A_3 = arith.constant 0 : index
    %get3A_4 = arith.constant 0 : index
    %get3A_5 = vector.load %arg1[%get3A_3, %get3A_4] : memref<10x200xf32, #tpu.memory_space<vmem>>, vector<10x200xf32>
    %dot_general3A = arith.constant dense<0.000000e+00> : vector<8x200xf32>
    %dot_general3A_6 = tpu.matmul %concatenate3A, %get3A_5, %dot_general3A {dimension_numbers = #tpu.dot_dimension_numbers<[1], [0], [0], [1], [0, 0, 1, 1], [], []>, transpose_lhs_hint = false} : vector<8x10xf32>, vector<10x200xf32>, vector<8x200xf32> -> vector<8x200xf32>
    %get3A_7 = arith.constant 0 : index
    %get3A_8 = arith.constant 0 : index
    %get3A_9 = vector.load %arg2[%get3A_7, %get3A_8] : memref<1x200xf32, #tpu.memory_space<vmem>>, vector<1x200xf32>
    %add3A = vector.broadcast %get3A_9 : vector<1x200xf32> to vector<8x200xf32>
    %add3A_10 = arith.addf %dot_general3A_6, %add3A : vector<8x200xf32>
    %neg3A = arith.constant 0.000000e+00 : f32
    %neg3A_11 = vector.broadcast %neg3A : f32 to vector<8x200xf32>
    %neg3A_12 = arith.subf %neg3A_11, %add3A_10 : vector<8x200xf32>
    %exp3A = math.exp %neg3A_12 : vector<8x200xf32>
    %add3A_13 = arith.constant 1.000000e+00 : f32
    %add3A_14 = vector.broadcast %add3A_13 : f32 to vector<8x200xf32>
    %add3A_15 = arith.addf %add3A_14, %exp3A : vector<8x200xf32>
    %div3A = arith.constant 1.000000e+00 : f32
    %div3A_16 = vector.broadcast %div3A : f32 to vector<8x200xf32>
    %div3A_17 = arith.divf %div3A_16, %add3A_15 : vector<8x200xf32>
    %get3A_18 = arith.constant 0 : index
    %get3A_19 = arith.constant 0 : index
    %get3A_20 = vector.load %arg3[%get3A_18, %get3A_19] : memref<200x100xf32, #tpu.memory_space<vmem>>, vector<200x100xf32>
    %dot_general3A_21 = arith.constant dense<0.000000e+00> : vector<8x100xf32>
    %dot_general3A_22 = tpu.matmul %div3A_17, %get3A_20, %dot_general3A_21 {dimension_numbers = #tpu.dot_dimension_numbers<[1], [0], [0], [1], [0, 0, 1, 1], [], []>, transpose_lhs_hint = false} : vector<8x200xf32>, vector<200x100xf32>, vector<8x100xf32> -> vector<8x100xf32>
    %get3A_23 = arith.constant 0 : index
    %get3A_24 = arith.constant 0 : index
    %get3A_25 = vector.load %arg4[%get3A_23, %get3A_24] : memref<1x100xf32, #tpu.memory_space<vmem>>, vector<1x100xf32>
    %add3A_26 = vector.broadcast %get3A_25 : vector<1x100xf32> to vector<8x100xf32>
    %add3A_27 = arith.addf %dot_general3A_22, %add3A_26 : vector<8x100xf32>
    %neg3A_28 = arith.constant 0.000000e+00 : f32
    %neg3A_29 = vector.broadcast %neg3A_28 : f32 to vector<8x100xf32>
    %neg3A_30 = arith.subf %neg3A_29, %add3A_27 : vector<8x100xf32>
    %exp3A_31 = math.exp %neg3A_30 : vector<8x100xf32>
    %add3A_32 = arith.constant 1.000000e+00 : f32
    %add3A_33 = vector.broadcast %add3A_32 : f32 to vector<8x100xf32>
    %add3A_34 = arith.addf %add3A_33, %exp3A_31 : vector<8x100xf32>
    %div3A_35 = arith.constant 1.000000e+00 : f32
    %div3A_36 = vector.broadcast %div3A_35 : f32 to vector<8x100xf32>
    %div3A_37 = arith.divf %div3A_36, %add3A_34 : vector<8x100xf32>
    %get3A_38 = arith.constant 0 : index
    %get3A_39 = arith.constant 0 : index
    %get3A_40 = vector.load %arg5[%get3A_38, %get3A_39] : memref<100x1xf32, #tpu.memory_space<vmem>>, vector<100x1xf32>
    %dot_general3A_41 = arith.constant dense<0.000000e+00> : vector<8x1xf32>
    %dot_general3A_42 = tpu.matmul %div3A_37, %get3A_40, %dot_general3A_41 {dimension_numbers = #tpu.dot_dimension_numbers<[1], [0], [0], [1], [0, 0, 1, 1], [], []>, transpose_lhs_hint = false} : vector<8x100xf32>, vector<100x1xf32>, vector<8x1xf32> -> vector<8x1xf32>
    %get3A_43 = arith.constant 0 : index
    %get3A_44 = arith.constant 0 : index
    %get3A_45 = vector.load %arg6[%get3A_43, %get3A_44] : memref<1x1xf32, #tpu.memory_space<vmem>>, vector<1x1xf32>
    %add3A_46 = vector.broadcast %get3A_45 : vector<1x1xf32> to vector<8x1xf32>
    %add3A_47 = arith.addf %dot_general3A_42, %add3A_46 : vector<8x1xf32>
    %swap3A = arith.constant 0 : index
    %swap3A_48 = arith.constant 0 : index
    %swap3A_49 = vector.load %arg7[%swap3A, %swap3A_48] : memref<8x1xf32, #tpu.memory_space<vmem>>, vector<8x1xf32>
    tpu.vector_store %arg7[%swap3A, %swap3A_48], %add3A_47 {strides = array<i32>} : memref<8x1xf32, #tpu.memory_space<vmem>>, vector<8x1xf32>,
    %neg3A_50 = arith.constant 0.000000e+00 : f32
    %neg3A_51 = vector.broadcast %neg3A_50 : f32 to vector<8x1xf32>
    %neg3A_52 = arith.subf %neg3A_51, %add3A_47 : vector<8x1xf32>
    %exp3A_53 = math.exp %neg3A_52 : vector<8x1xf32>
    %add3A_54 = arith.constant 1.000000e+00 : f32
    %add3A_55 = vector.broadcast %add3A_54 : f32 to vector<8x1xf32>
    %add3A_56 = arith.addf %add3A_55, %exp3A_53 : vector<8x1xf32>
    %div3A_57 = arith.constant 1.000000e+00 : f32
    %div3A_58 = vector.broadcast %div3A_57 : f32 to vector<8x1xf32>
    %div3A_59 = arith.divf %div3A_58, %add3A_56 : vector<8x1xf32>
    %swap3A_60 = arith.constant 0 : index
    %swap3A_61 = arith.constant 0 : index
    %swap3A_62 = vector.load %arg8[%swap3A_60, %swap3A_61] : memref<8x1xf32, #tpu.memory_space<vmem>>, vector<8x1xf32>
    tpu.vector_store %arg8[%swap3A_60, %swap3A_61], %div3A_59 {strides = array<i32>} : memref<8x1xf32, #tpu.memory_space<vmem>>, vector<8x1xf32>,
    return
  }
}

</mosaic_0001>

<sc_bundles>
// kernel: kernel.5.cloned.1.call-start
scs
__scs_entry_jumppad:
0x0: {  	(pc) =	sbr.rel $0x88, $3  }
0x1: {  	(tag) =	ssettag $0x0;
	lr =	simm.s32 $0x1  }
0x2: {  	[smem:$0x3F99] =	sst lr;
	_ =	strace $0xD0000000  }
0x3: {  	_ = 	snop  }
0x4: {  	_ = 	snop  }
0x5: {  	_ = 	snop  }
0x6: {  	_ = 	snop  }
0x7: {  	_ = 	snop  }
__scs_overlays_trampoline_lowered:
0x8: {  	[smem:$0x3FA8] =	sst s0  }
0x9: {  	[smem:$0x3FA9] =	sst s1  }
0xa: {  	[smem:$0x3FAA] =	sst s2  }
0xb: {  	[smem:$0x3FAB] =	sst s3  }
0xc: {  	[smem:$0x3FAC] =	sst s4  }
0xd: {  	[smem:$0x3FAD] =	sst s5  }
0xe: {  	[smem:$0x3FAE] =	sst s6  }
0xf: {  	[smem:$0x3FAF] =	sst s7  }
0x10: {  	[smem:$0x3FB0] =	sst s8  }
0x11: {  	[smem:$0x3FB1] =	sst s9;
	s0 =	simm.s32 @!p0 $0x0  }
0x12: {  	s1 =	sld [smem:$0x3F97];
	s0 =	simm.s32 @p0 $0x1  }
0x13: {  	[smem:$0x3FB2] =	sst s0;
	s0 =	simm.s32 @!p1 $0x0  }
0x14: {  	s2 =	sld [smem:$0x3F96];
	s0 =	simm.s32 @p1 $0x1  }
0x15: {  	[smem:$0x3FB3] =	sst s0;
	s0 =	simm.s32 @!p2 $0x0  }
0x16: {  	s3 =	sld [smem:$0x3FDB];
	s0 =	simm.s32 @p2 $0x1  }
0x17: {  	s4 =	simm.s32 $0x1BF5;
	[smem:$0x3FB5] =	sst s0  }
0x18: {  	s0 =	sld [smem:$0x3F98];
	_ =	swait.ge [sflag:s4], $0x0  }
0x19: {  	s7 =	sld [smem:$0x3F99]  }
0x1a: {  	s8 =	sadd.s32 $0xFFFFE003, lr  }
0x1b: {  	s9 =	sadd.s32 $0xFFFFFEF7, lr;
	s5 =	simm.s32 $0xFFFFFFFF;
	p2 =	slt.u32 s8, $0xFFFFF086  }
0x1c: {  	p1 =	slt.u32 s9, $0xF7A;
	s5 =	simm.s32 @!p2 $0x0  }
0x1d: {  	s5 =	simm.s32 @p1 $0x1;
	p0 =	seq.s32 s7, s2  }
0x1e: {  	s7 =	smul.u32 @!p0 $0xF7A, s2;
	p2 =	seq.s32 @!p0 s5, $0x0  }
0x1f: {  	s9 =	smul.u32 $0xF7A, s1;
	s8 =	simm.s32 @!p0 $0x1BF5;
	p2 =	por !p2, p0  }
0x20: {  	[sflag:s8] =	ssyncset.s32 @!p0 $0xFFFFF086;
	s6 =	sadd.s32 @!p0 s3, s7;
	s7 =	simm.s32 @!p0 $0x108  }
0x21: {  	s3 =	sadd.s32 s3, s9;
	s6 =	sadd.s32 @!p0 $0x88, s6;
	s7 =	simm.s32 @p2 $0x1082  }
0x22: {  	[simem:s7], [sflag:s8] =	dma.local @!p0 [hbm:s6], $0xF7A  }
0x23: {  	s9 =	sor.u32 $0xD0000000, s2;
	s6 =	simm.s32 $0x108;
	_ =	swait.ge @!p0 [sflag:s8], $0x0  }
0x24: {  	s3 =	sadd.s32 $0x88, s3;
	s6 =	simm.s32 @!p1 $0x1082;
	[sflag:s4] =	ssyncset.s32 $0xFFFFF086  }
0x25: {  	[simem:s6], [sflag:s4] =	dma.local [hbm:s3], $0xF7A  }
0x26: {  	[smem:$0x3F99] =	sst s1;
	(tag) =	ssettag s2;
	_ =	strace s9  }
0x27: {  	s1 =	sld [smem:$0x3FA9]  }
0x28: {  	s2 =	sld [smem:$0x3FAA]  }
0x29: {  	s4 =	sld [smem:$0x3FAC]  }
0x2a: {  	p0 =	seq.s32 s5, $0x0;
	s5 =	sld [smem:$0x3FAD]  }
0x2b: {  	s6 =	sld [smem:$0x3FAE]  }
0x2c: {  	s7 =	sld [smem:$0x3FAF]  }
0x2d: {  	s3 =	simm.s32 $0x108;
	s8 =	sld [smem:$0x3FB0]  }
0x2e: {  	s3 =	simm.s32 @!p0 $0x1082;
	s9 =	sld [smem:$0x3FB1]  }
0x2f: {  	lr =	sadd.s32 s0, s3;
	s0 =	sld [smem:$0x3FA8]  }
0x30: {  	s3 =	sld [smem:$0x3FAB]  }
0x31: {  	[smem:$0x3FB4] =	sst s10  }
0x32: {  	s10 =	sld [smem:$0x3FB2];
	_ =	sdelay $0x3  }
0x33: {  	p0 =	seq.s32 s10, $0x1;
	s10 =	sld [smem:$0x3FB4];
	_ =	sdelay $0x3  }
0x34: {  	[smem:$0x3FB4] =	sst s10  }
0x35: {  	s10 =	sld [smem:$0x3FB3];
	_ =	sdelay $0x3  }
0x36: {  	p1 =	seq.s32 s10, $0x1;
	s10 =	sld [smem:$0x3FB4];
	_ =	sdelay $0x3  }
0x37: {  	[smem:$0x3FB4] =	sst s10  }
0x38: {  	s10 =	sld [smem:$0x3FB5]  }
0x39: {  	_ = 	snop;
	(pc) =	sbr.ind lr, $3  }
0x3a: {  	_ = 	snop  }
0x3b: {  	_ = 	snop  }
0x3c: {  	p2 =	seq.s32 s10, $0x1;
	s10 =	sld [smem:$0x3FB4]  }
0x3d: {  	_ =	shalt  }
0x3e: {  	_ =	shalt  }
0x3f: {  	_ =	shalt  }
0x40: {  	_ =	shalt  }
0x41: {  	_ =	shalt  }
0x42: {  	_ =	shalt  }
0x43: {  	_ =	shalt  }
0x44: {  	_ =	shalt  }
0x45: {  	_ =	shalt  }
0x46: {  	_ =	shalt  }
0x47: {  	_ =	shalt  }
0x48: {  	_ =	shalt  }
0x49: {  	_ =	shalt  }
0x4a: {  	_ =	shalt  }
0x4b: {  	_ =	shalt  }
0x4c: {  	_ =	shalt  }
0x4d: {  	_ =	shalt  }
0x4e: {  	_ =	shalt  }
0x4f: {  	_ =	shalt  }
0x50: {  	_ =	shalt  }
0x51: {  	_ =	shalt  }
0x52: {  	_ =	shalt  }
0x53: {  	_ =	shalt  }
0x54: {  	_ =	shalt  }
0x55: {  	_ =	shalt  }
0x56: {  	_ =	shalt  }
0x57: {  	_ =	shalt  }
0x58: {  	_ =	shalt  }
0x59: {  	_ =	shalt  }
0x5a: {  	_ =	shalt  }
0x5b: {  	_ =	shalt  }
0x5c: {  	_ =	shalt  }
0x5d: {  	_ =	shalt  }
0x5e: {  	_ =	shalt  }
0x5f: {  	_ =	shalt  }
0x60: {  	_ =	shalt  }
0x61: {  	_ =	shalt  }
0x62: {  	_ =	shalt  }
0x63: {  	_ =	shalt  }
0x64: {  	_ =	shalt  }
0x65: {  	_ =	shalt  }
0x66: {  	_ =	shalt  }
0x67: {  	_ =	shalt  }
0x68: {  	_ =	shalt  }
0x69: {  	_ =	shalt  }
0x6a: {  	_ =	shalt  }
0x6b: {  	_ =	shalt  }
0x6c: {  	_ =	shalt  }
0x6d: {  	_ =	shalt  }
0x6e: {  	_ =	shalt  }
0x6f: {  	_ =	shalt  }
0x70: {  	_ =	shalt  }
0x71: {  	_ =	shalt  }
0x72: {  	_ =	shalt  }
0x73: {  	_ =	shalt  }
0x74: {  	_ =	shalt  }
0x75: {  	_ =	shalt  }
0x76: {  	_ =	shalt  }
0x77: {  	_ =	shalt  }
0x78: {  	_ =	shalt  }
0x79: {  	_ =	shalt  }
0x7a: {  	_ =	shalt  }
0x7b: {  	_ =	shalt  }
0x7c: {  	_ =	shalt  }
0x7d: {  	_ =	shalt  }
0x7e: {  	_ =	shalt  }
0x7f: {  	_ =	shalt  }
0x80: {  	_ =	shalt  }
0x81: {  	_ =	shalt  }
0x82: {  	_ =	shalt  }
0x83: {  	_ =	shalt  }
0x84: {  	_ =	shalt  }
0x85: {  	_ =	shalt  }
0x86: {  	_ =	shalt  }
0x87: {  	_ =	shalt  }
.Lfunc_end0:
.L_simem_size_0:
called_computation_lowered:
.L_overlay_start_0:
0x88: {  	s2 =	sld [smem:$0x3FD9]  }
0x89: {  	s3 =	sld [smem:$0x3FFE];
	_ =	sdelay $0x1  }
0x8a: {  	s1 =	srdreg.scid  }
0x8b: {  	s0 =	sand.u32 $0x1, s1  }
0x8c: {  	s16 =	sshll.u32 s0, $0xA;
	s2 =	sadd.s32 s3, s2  }
0x8d: {  	s2 =	sadd.s32 s2, s16  }
0x8e: {  	[smem:$0x3FC0] =	sst s2  }
0x8f: {  	_ = 	snop  }
0x90: {  	(tm) =	ssettm $0x1  }
0x91: {  	s17 =	sld [smem:$0x3FFB];
	_ =	sdelay $0x3  }
0x92: {  	_ =	strace s17  }
0x93: {  	s2 =	sld [smem:$0x3FFC];
	_ =	sdelay $0x3  }
0x94: {  	_ =	strace s2  }
0x95: {  	s2 =	sld [smem:$0x3FFD];
	_ =	sdelay $0x3  }
0x96: {  	_ =	strace s2  }
0x97: {  	_ =	strace $0x8FFFFFFF  }
0x98: {  	s18 =	sld [smem:$0x3FDB];
	_ =	sdelay $0x1  }
0x99: {  	s19 =	simm.s32 $_scs_section_size  }
0x9a: {  	s4 =	simm.s32 $_size__tile_overlayer_lowered;
	s5 =	simm.s32 $_tile_overlayer_lowered  }
0x9b: {  	s22 =	simm.s32 $0x1BFF;
	s21 =	sshll.u32 s5, $0x1;
	s2 =	sadd.s32 s19, s18  }
0x9c: {  	s6 =	simm.s32 $0x0;
	s20 =	sshll.u32 s4, $0x1;
	s4 =	sadd.s32 s21, s2  }
0x9d: {  	[timem:s6], [sflag:s22] =	dma.local [hbm:s4], s20  }
0x9e: {  	_ =	swait.ge [sflag:s22], s20  }
0x9f: {  	s3 =	ssub.s32 $0x0, s20;
	[sflag:s22] =	ssyncset.done $0x0  }
0xa0: {  	[sflag:s22] =	ssyncadd.s32 s3;
	_ =	sdelay $0x1  }
0xa1: {  	s23 =	simm.s32 $0x1B8B  }
0xa2: {  	_ =	swait.ge [sflag:s23], $0x1  }
0xa3: {  	[sflag:s23] =	ssyncset.done $0x0  }
0xa4: {  	s25 =	simm.s32 $0x1B8E;
	s24 =	sld [smem:$0x3FFE];
	[sflag:s23] =	ssyncadd.s32 $0xFFFFFFFF  }
0xa5: {  	s26 =	simm.s32 $execute0_lowered;
	[smem:$0x3FD2] =	sst s25  }
0xa6: {  	s4 =	sshll.u32 s26, $0x1;
	_ =	strace $0x80000046;
	[dreg:$0x1] =	wrdreg $0xFFFFFFFF  }
0xa7: {  	s28 =	simm.s32 $_size_execute0_lowered;
	s2 =	sadd.s32 s2, s4;
	[dreg:$0x0] =	wrdreg $0x0  }
0xa8: {  	s4 =	sshll.u32 s28, $0x1;
	[dreg:$0x2] =	wrdreg s2  }
0xa9: {  	[dreg:$0x3] =	wrdreg s4  }
0xaa: {  	[dreg:$0x4] =	wrdreg $0xC0  }
0xab: {  	_ =	task [dreg:s6], $0x5FFFF  }
0xac: {  	[dreg:$0x1] =	wrdreg $0xFFFFFFFF  }
0xad: {  	[dreg:$0x0] =	wrdreg $0x60  }
0xae: {  	[dreg:$0x2] =	wrdreg s24  }
0xaf: {  	[dreg:$0x3] =	wrdreg $0x9  }
0xb0: {  	_ =	task.clear_ibuf [dreg:s6], $0x4FFFF;
	_ =	strace $0x90000046  }
0xb1: {  	s29 =	simm.s32 $0x9;
	_ =	strace $0x80000048  }
0xb2: {  	_ =	swait.ge [sflag:s29], $0x1  }
0xb3: {  	[sflag:s29] =	ssyncadd.s32 $0xFFFFFFFF  }
0xb4: {  	_ =	strace $0x90000048  }
0xb5: {  	_ =	sfence  }
0xb6: {  	s30 =	sld [smem:$0x0];
	_ =	sdelay $0x2  }
0xb7: {  	s31 =	sshll.u32 s1, $0xD;
	s1 =	sshrl.u32 s1, $0x2  }
0xb8: {  	s3 =	sand.u32 $0x4000, s31;
	s1 =	sadd.s32 s1, s30  }
0xb9: {  	s0 =	sor.u32 s3, s0;
	s1 =	sshll.u32 s1, $0x11  }
0xba: {  	s0 =	sor.u32 s1, s0  }
0xbb: {  	s0 =	sadd.s32 $0x8F2B, s0  }
0xbc: {  	[sflag:s0] =	ssyncadd.remote.s32 $0x1  }
0xbd: {  	_ =	sfence.sel $0xFFFF  }
0xbe: {  	[dreg:$0x0] =	wrdreg $0xFFFFFFFF;
	(pc) =	sbr.abs _section_cstart, $3  }
0xbf: {  	[dreg:$0x1] =	wrdreg $0xFFFFFFFF  }
0xc0: {  	_ =	task.clear_ibuf [dreg:s6], $0x2FFFF;
	_ =	strace $0x9FFFFFFF  }
0xc1: {  	(tm) =	ssettm $0x7FFFFFFF  }
tec
execute0_lowered:
.L_overlay_start_1:
0x0: {  	(tag) =	ssettag $0x1  }
0x1: {  	s1 =	stileid.u32  }
0x2: {  	p0 =	sgt.u32 s1, $0x3  }
.Ltmp0:
0x3: {  	_ = 	snop;
	(pc) =	sbr.rel @p0 .LBB2_5-.Ltmp0, $4  }
0x4: {  	_ = 	snop  }
0x5: {  	s3 =	rddreg [dreg:$0x0];
	s2 =	simm.s32 $0x0  }
0x6: {  	[smem:$0x7FF] =	sst s2  }
0x7: {  	s0 =	rddreg [dreg:$0x1];
	_ =	strace $0x80000047  }
0x8: {  	s4 =	srdreg.scid;
	s5 =	sshll.u32 s1, $0x5;
	s30 =	sadd.s32 $0x1000, s3  }
0x9: {  	s8 =	simm.s32 $0x1;
	s9 =	simm.s32 $0x2000;
	s4 =	sand.u32 $0x1, s4  }
0xa: {  	v0 =	vlaneseq.u32;
	s10 =	simm.s32 $0x0;
	s6 =	sshll.u32 s4, $0x4;
	s4 =	ssub.s32 $0x2, s4  }
0xb: {  	v0 =	vmul.u32 $0xFFFFFFFF, v0;
	s5 =	sor.u32 s6, s5;
	s7 =	sshrl.u32 s4, $0x1;
	s6 =	simm.s32 $0x80  }
0xc: {  	s31 =	sadd.s32 s5, s3;
	s7 =	ssub.s32 s4, s7;
	s4 =	sadd.s32 s30, s5  }
0xd: {  	v0 =	vadd.s32 $0xF, v0;
	s3 =	sadd.s32 $0x3000, s31;
	s5 =	smax.u32 s7, $0x1;
	s7 =	simm.s32 $0x400  }
.LBB2_2:
0xe: {  	[tilespmem:s2], [sflag:$0x1] =	stream.strided.gather [hbm4b:s4+s6], $0x2000, s7, s6, $0x38;
	[tilespmem:$0x2080] =	vst v63  }
0xf: {  	_ =	swait.ge [sflag:s8], $0x2000  }
0x10: {  	[sflag:s8] =	ssyncset.done $0x0  }
0x11: {  	[sflag:s8] =	ssyncadd.s32 $0xFFFFE000  }
0x12: {  	s11 =	simm.s32 $0x10;
	v1 =	vld [tilespmem:$0x0]  }
0x13: {  	v2 =	vld [tilespmem:s11+$0x0];
	_ =	sdelay $0x3  }
0x14: {  	(xrf1) =	vsort.ascd.msk.f32 $0xffff, v1, v1  }
0x15: {  	(xrf1) =	vsort.ascd.msk.f32 $0xffff, v2, v2;
	_ =	sdelay $0x9  }
0x16: {  	s30 =	simm.s32 $0x20  }
0x17: {  	v1 =	vld [tilespmem:s30+$0x0];
	_ =	sdelay $0x1  }
0x18: {  	v2, _, _ =	vpop (xrf1)  }
0x19: {  	v3, _, _ =	vpop (xrf1)  }
0x1a: {  	v3 =	vperm.xlane v3, v0  }
0x1b: {  	(xrf1) =	vsort.ascd.msk.f32 $0xffff, v1, v1  }
0x1c: {  	v1 =	vmax.f32 v2, v3  }
0x1d: {  	v2 =	vmin.f32 v2, v3;
	(xrf1) =	vsort.ascd.msk.f32 $0xffff, v1, v1  }
0x1e: {  	(xrf1) =	vsort.ascd.msk.f32 $0xffff, v2, v2;
	_ =	sdelay $0x6  }
0x1f: {  	s31 =	simm.s32 $0x30  }
0x20: {  	s11 =	simm.s32 $0x100;
	v1 =	vld [tilespmem:s31+$0x0]  }
.LBB2_3:
0x21: {  	p0 =	sne.s32 s11, $0x7FC0;
	_ =	sdelay $0x1  }
0x22: {  	v2, _, _ =	vpop (xrf1)  }
0x23: {  	v2 =	vperm.xlane v2, v0  }
0x24: {  	(xrf1) =	vsort.ascd.msk.f32 $0xffff, v1, v1;
	v1, _, _ =	vpop (xrf1)  }
0x25: {  	v1 =	vmax.f32 v1, v2;
	v3, _, _ =	vpop (xrf1)  }
0x26: {  	v2 =	vmin.f32 v3, v2;
	(xrf1) =	vsort.ascd.msk.f32 $0xffff, v1, v1  }
0x27: {  	(xrf1) =	vsort.ascd.msk.f32 $0xffff, v2, v2;
	_ =	sdelay $0x3  }
.Ltmp1:
0x28: {  	(pc) =	sbr.rel @p0 .LBB2_3-.Ltmp1, $3  }
0x29: {  	_ =	sdelay $0x1  }
0x2a: {  	s12 =	sshra.s32 s11, $0x2  }
0x2b: {  	s11 =	sadd.s32 $0x40, s11;
	v1 =	vld [tilespmem:s12+$0x0]  }
0x2c: {  	_ =	sdelay $0x1  }
0x2d: {  	v2, _, _ =	vpop (xrf1)  }
0x2e: {  	v2 =	vperm.xlane v2, v0  }
0x2f: {  	(xrf1) =	vsort.ascd.msk.f32 $0xffff, v1, v1;
	v1, _, _ =	vpop (xrf1)  }
0x30: {  	v1 =	vmax.f32 v1, v2;
	v3, _, _ =	vpop (xrf1)  }
0x31: {  	v2 =	vmin.f32 v3, v2;
	(xrf1) =	vsort.ascd.msk.f32 $0xffff, v1, v1  }
0x32: {  	(xrf1) =	vsort.ascd.msk.f32 $0xffff, v2, v2;
	_ =	sdelay $0xa  }
0x33: {  	v1, _, _ =	vpop (xrf1)  }
0x34: {  	v1 =	vperm.xlane v1, v0  }
0x35: {  	v2, _, _ =	vpop (xrf1)  }
0x36: {  	v2 =	vmax.f32 v2, v1;
	v3, _, _ =	vpop (xrf1)  }
0x37: {  	v1 =	vmin.f32 v3, v1;
	(xrf1) =	vsort.ascd.msk.f32 $0xffff, v2, v2  }
0x38: {  	(xrf1) =	vsort.ascd.msk.f32 $0xffff, v1, v1;
	_ =	sdelay $0xc  }
0x39: {  	s10 =	sadd.s32 $0x1, s10;
	v1, _, _ =	vpop (xrf1)  }
0x3a: {  	p0 =	sne.s32 s10, s5;
	v2, _, _ =	vpop (xrf1);
	[tilespmem:$0x2010] =	vst v1  }
.Ltmp2:
0x3b: {  	[tilespmem:$0x2000] =	vst v2;
	(pc) =	sbr.rel @p0 .LBB2_2-.Ltmp2, $4  }
0x3c: {  	[hbm4b:s3+s2] =	stream.linear.scatter [tilespmem:s9], [sflag:$0x1], $0x80, $0x38;
	[tilespmem:$0x2080] =	vst v63  }
0x3d: {  	_ =	swait.ge [sflag:s8], $0x80  }
0x3e: {  	[sflag:s8] =	ssyncset.done $0x0  }
0x3f: {  	[sflag:s8] =	ssyncadd.s32 $0xFFFFFF80  }
.LBB2_5:
0x40: {  	_ =	sfence.sel $0x180000  }
0x41: {  	[bflag:$0x0] =	sbarrier.arrive $0xFFFF  }
0x42: {  	p0 =	sne.s32 s1, $0x0;
	_ =	strace $0x90000047  }
0x43: {  	s0 =	sadd.s32 @!p0 $0x100000, s0;
	[bflag:$0x2] =	sbarrier.arrive $0xFFFF  }
0x44: {  	[sflag:s0] =	ssyncadd.tile.s32 @!p0 $0x1;
	_ =	shalt  }
.Lfunc_end2:
_tile_overlayer_lowered:
.L_overlay_start_2:
0x45: {  	(tag) =	ssettag $0x2  }
0x46: {  	s0 =	rddreg [dreg:$0x0];
	s2 =	stileid.u32  }
0x47: {  	s1 =	rddreg [dreg:$0x1];
	p0 =	sne.s32 s2, $0x0  }
0x48: {  	s3 =	rddreg [dreg:$0x2];
	[bflag:$0x3] =	sbarrier.arrive $0xFFFF;
	s2 =	simm.s32 @!p0 $0x1C01  }
0x49: {  	[timem:s3], [sflag:s2] =	dma.local @!p0 [hbm:s0], s1  }
0x4a: {  	s0 =	simm.s32 @!p0 $0x1  }
0x4b: {  	_ =	swait.ge @!p0 [sflag:s0], s1  }
0x4c: {  	s1 =	ssub.s32 @!p0 $0x0, s1;
	[sflag:s0] =	ssyncset.done @!p0 $0x0  }
0x4d: {  	[sflag:s0] =	ssyncadd.s32 @!p0 s1  }
0x4e: {  	[bflag:$0x3] =	sbarrier.arrive $0xFFFF  }
0x4f: {  	_ =	shalt  }

</sc_bundles>
